<compile_context>
chip_gen: v7x
topology: tpu7x:2x2x1
jax: 0.10.2.dev20260603
libtpu: 0.0.44.dev20260713+nightly
codegen_flags: <defaults>
</compile_context>

<pallas_src>
import functools

import jax
import jax.numpy as jnp
from jax import lax
from jax.experimental import pallas as pl
from jax.experimental.pallas import tpu as pltpu
from jax.experimental.pallas import tpu_sc as plsc

BATCH = 1024
NUM_NEURONS = 4096
TOTAL_INPUT_BITS = 4096
HASH_SIZE = 1024
NJ = 10
LANES = 16

NC = 2
NS = 16
NW = NC * NS
NPW = NUM_NEURONS // NW
G = 4
NGROUPS = NPW // G



def _tp_body(x_ref, o_ref):
    o_ref[...] = x_ref[...].T


def _tp_cast_body(x_ref, o_ref):
    o_ref[...] = x_ref[...].T.astype(jnp.int8)


def _transpose_i32(x):
    m, n = x.shape
    bm = bn = 256
    return pl.pallas_call(
        _tp_body,
        grid=(n // bn, m // bm),
        in_specs=[pl.BlockSpec((bm, bn), lambda i, j: (j, i))],
        out_specs=pl.BlockSpec((bn, bm), lambda i, j: (i, j)),
        out_shape=jax.ShapeDtypeStruct((n, m), x.dtype),
    )(x)


def _transpose_cast_i8(x):
    m, n = x.shape
    bm = bn = 256
    return pl.pallas_call(
        _tp_cast_body,
        grid=(n // bn, m // bm),
        in_specs=[pl.BlockSpec((bm, bn), lambda i, j: (j, i))],
        out_specs=pl.BlockSpec((bn, bm), lambda i, j: (i, j)),
        out_shape=jax.ShapeDtypeStruct((n, m), jnp.int8),
    )(x)



@functools.partial(
    pl.kernel,
    out_type=jax.ShapeDtypeStruct((NUM_NEURONS, BATCH), jnp.int32),
    mesh=plsc.VectorSubcoreMesh(core_axis_name="c", subcore_axis_name="s"),
    compiler_params=pltpu.CompilerParams(needs_layout_passes=False),
    scratch_types=[
        pltpu.VMEM((G * NJ,), jnp.int32),
        pltpu.VMEM((G * NJ, BATCH), jnp.int32),
        pltpu.VMEM((G * BATCH,), jnp.int32),
        pltpu.VMEM((G, BATCH), jnp.int32),
        pltpu.SemaphoreType.DMA,
    ],
)
def _sc_ram_lookup(bitsT, conn10, mem_flat, outT,
                   idx_v, rows_v, mrows_v, out_v, sem):
    wid = lax.axis_index("s") * NC + lax.axis_index("c")
    n0 = wid * NPW

    def group_body(g, carry):
        base = n0 + g * G
        pltpu.sync_copy(conn10.at[pl.ds(base * NJ, G * NJ)], idx_v)
        pltpu.async_copy(bitsT.at[idx_v], rows_v, sem).wait()
        pltpu.sync_copy(mem_flat.at[pl.ds(base * HASH_SIZE, G * HASH_SIZE)],
                        mrows_v)

        def vec_body(v, carry2):
            b = v * LANES
            for gi in range(G):
                addr = rows_v[gi * NJ, pl.ds(b, LANES)]
                for j in range(1, NJ):
                    addr = addr | (rows_v[gi * NJ + j, pl.ds(b, LANES)] << j)
                val = plsc.load_gather(mrows_v, [addr + gi * HASH_SIZE])
                out_v[gi, pl.ds(b, LANES)] = val & 1
            return carry2

        lax.fori_loop(0, BATCH // LANES, vec_body, 0)
        pltpu.sync_copy(out_v, outT.at[pl.ds(base, G)])
        return carry

    lax.fori_loop(0, NGROUPS, group_body, 0)



def kernel(input_bits, connections, memory, bit_weights):
    del bit_weights
    bitsT = _transpose_i32(input_bits)
    conn10 = connections[:, :NJ].reshape(-1)
    outT = _sc_ram_lookup(bitsT, conn10, memory.reshape(-1))
    out8 = _transpose_cast_i8(outT)
    return out8.astype(jnp.bool_)

# --- scband reference (transcript-rebuilt; emitter-appended) ---
"""Pipeline reference for scband-ramlayer-original-21818433864468 (READ-ONLY COPY).

The authoritative reference and input builder live on the scoring server;
editing this copy changes nothing except your own understanding.
"""

import jax, jax.numpy as jnp
import numpy as np

BATCH = 1024
TOTAL_INPUT_BITS = 4096
NUM_NEURONS = 4096
N_BITS = 16
HASH_SIZE = 1024

def setup_inputs(seed: int = 0) -> dict:
    key = jax.random.key(seed)
    k1, k2, k3 = jax.random.split(key, 3)
    input_bits = jax.random.randint(k1, (BATCH, TOTAL_INPUT_BITS), 0, 2, dtype=jnp.int32)
    # fixed random connectivity buffer (num_neurons, n_bits_per_neuron)
    connections = jax.random.randint(k2, (NUM_NEURONS, N_BITS), 0, TOTAL_INPUT_BITS, dtype=jnp.int32)
    # per-neuron hashed memory tables, entries are 0/1 (use_hashing=True -> memory_size = hash_size)
    memory = jax.random.randint(k3, (NUM_NEURONS, HASH_SIZE), 0, 2, dtype=jnp.int32)
    # RAMNeuron bit weights: powers of two, identical per neuron
    bit_weights = 2 ** jnp.arange(N_BITS, dtype=jnp.int32)
    return {"input_bits": input_bits, "connections": connections, "memory": memory, "bit_weights": bit_weights}

def reference(input_bits, connections, memory, bit_weights):
    # input_bits -> bool
    bits = input_bits.astype(jnp.bool_)
    # gather connected bits: [B, num_neurons, n_bits]
    gathered = bits[:, connections]
    # compute addresses per neuron: weighted binary sum
    addresses = (gathered.astype(jnp.int32) * bit_weights[None, None, :]).sum(axis=-1)
    # use_hashing=True -> modulo memory size
    addresses = addresses % HASH_SIZE
    # per-neuron memory lookup: memory[n, addresses[b, n]] -> [B, num_neurons]
    neuron_ids = jnp.arange(NUM_NEURONS, dtype=jnp.int32)[None, :]
    mems = memory[neuron_ids, addresses]
    return (mems & 1).astype(jnp.bool_)

if __name__ == "__main__":
    import jax
    _d = setup_inputs()
    print(jax.jit(kernel)(*tuple(_d.values())))

</pallas_src>

<mosaic_0001>
#map = affine_map<(d0, d1) -> (0, 0)>
#map1 = affine_map<(d0, d1) -> (0)>
module attributes {stable_mosaic.version = 14 : i64} {
  func.func @_sc_ram_lookup(%arg0: i32, %arg1: i32, %arg2: memref<4096x1024xi32, #tpu.memory_space<hbm>>, %arg3: memref<40960xi32, #tpu.memory_space<hbm>>, %arg4: memref<4194304xi32, #tpu.memory_space<hbm>>, %arg5: memref<4096x1024xi32, #tpu.memory_space<hbm>>, %arg6: memref<40xi32, #tpu.memory_space<vmem>>, %arg7: memref<40x1024xi32, #tpu.memory_space<vmem>>, %arg8: memref<4096xi32, #tpu.memory_space<vmem>>, %arg9: memref<4x1024xi32, #tpu.memory_space<vmem>>, %arg10: memref<!tpu.dma_semaphore, #tpu.memory_space<semaphore_mem>>) attributes {dimension_semantics = [#tpu.dimension_semantics<core_parallel>, #tpu.dimension_semantics<subcore_parallel>], iteration_bounds = array<i64: 2, 16>, scalar_prefetch = 0 : i64, scratch_operands = 5 : i64, tpu.core_type = #tpu.core_type<sc_vector_subcore>, window_params = [{transform_indices = #map}, {transform_indices = #map1}, {transform_indices = #map1}, {transform_indices = #map}]} {
    %mul3A = arith.constant 2 : i32
    %mul3A_0 = arith.muli %arg1, %mul3A : i32
    %add3A = arith.addi %mul3A_0, %arg0 : i32
    %mul3A_1 = arith.constant 128 : i32
    %mul3A_2 = arith.muli %add3A, %mul3A_1 : i32
    %scan3A = arith.constant 0 : i32
    %scan3A_3 = arith.constant 0 : i32
    %scan3A_4 = arith.constant 32 : i32
    %scan3A_5 = arith.addi %scan3A_3, %scan3A_4 : i32
    %scan3A_6 = arith.constant 1 : i32
    scf.for %scan3A_8 = %scan3A_3 to %scan3A_5 step %scan3A_6  : i32 {
      %mul3A_9 = arith.constant 4 : i32
      %mul3A_10 = arith.muli %scan3A_8, %mul3A_9 : i32
      %add3A_11 = arith.addi %mul3A_2, %mul3A_10 : i32
      %mul3A_12 = arith.constant 10 : i32
      %mul3A_13 = arith.muli %add3A_11, %mul3A_12 : i32
      "tpu.region"() ({
        %run_scoped3A = tpu.sem_alloc : memref<!tpu.dma_semaphore, #tpu.memory_space<semaphore_mem>>
        %dma_start3A_26 = tpu.memref_slice %arg3[%mul3A_13] : memref<40960xi32, #tpu.memory_space<hbm>> -> memref<40xi32, #tpu.memory_space<hbm>>
        %dma_start3A_27 = tpu.memref_slice %arg3[%mul3A_13] : memref<40960xi32, #tpu.memory_space<hbm>> -> memref<40xi32, #tpu.memory_space<hbm>>
        tpu.enqueue_dma source(%dma_start3A_27 : memref<40xi32, #tpu.memory_space<hbm>>) target(%arg6 : memref<40xi32, #tpu.memory_space<vmem>>) target_semaphore(%run_scoped3A : memref<!tpu.dma_semaphore, #tpu.memory_space<semaphore_mem>>)
        %dma_wait3A_28 = tpu.memref_slice %arg3[%mul3A_13] : memref<40960xi32, #tpu.memory_space<hbm>> -> memref<40xi32, #tpu.memory_space<hbm>>
        %dma_wait3A_29 = tpu.memref_slice %arg3[%mul3A_13] : memref<40960xi32, #tpu.memory_space<hbm>> -> memref<40xi32, #tpu.memory_space<hbm>>
        tpu.wait_dma2 semaphore(%run_scoped3A : memref<!tpu.dma_semaphore, #tpu.memory_space<semaphore_mem>>) src(%dma_wait3A_29 : memref<40xi32, #tpu.memory_space<hbm>>) dst(%arg6 : memref<40xi32, #tpu.memory_space<vmem>>)
        tpu.yield
      }) : () -> ()
      %dma_start3A = arith.constant 0 : i32
      %dma_start3A_14 = arith.constant 0 : i32
      %dma_start3A_15 = tpu.memref_slice %arg2[%dma_start3A, %dma_start3A_14] : memref<4096x1024xi32, #tpu.memory_space<hbm>> -> memref<4096x1024xi32, #tpu.memory_space<hbm>>
      tpu.enqueue_indirect_dma source(%dma_start3A_15 : memref<4096x1024xi32, #tpu.memory_space<hbm>>) target(%arg7 : memref<40x1024xi32, #tpu.memory_space<vmem>>) offsets(%arg6 : memref<40xi32, #tpu.memory_space<vmem>>) semaphore(%arg10 : memref<!tpu.dma_semaphore, #tpu.memory_space<semaphore_mem>>)
      %dma_wait3A = arith.constant 0 : i32
      %dma_wait3A_16 = arith.constant 0 : i32
      %dma_wait3A_17 = tpu.memref_slice %arg2[%dma_wait3A, %dma_wait3A_16] : memref<4096x1024xi32, #tpu.memory_space<hbm>> -> memref<4096x1024xi32, #tpu.memory_space<hbm>>
      tpu.wait_indirect_dma semaphore(%arg10 : memref<!tpu.dma_semaphore, #tpu.memory_space<semaphore_mem>>) src(%dma_wait3A_17 : memref<4096x1024xi32, #tpu.memory_space<hbm>>) dst(%arg7 : memref<40x1024xi32, #tpu.memory_space<vmem>>)
      %mul3A_18 = arith.constant 1024 : i32
      %mul3A_19 = arith.muli %add3A_11, %mul3A_18 : i32
      "tpu.region"() ({
        %run_scoped3A = tpu.sem_alloc : memref<!tpu.dma_semaphore, #tpu.memory_space<semaphore_mem>>
        %dma_start3A_26 = tpu.memref_slice %arg4[%mul3A_19] : memref<4194304xi32, #tpu.memory_space<hbm>> -> memref<4096xi32, #tpu.memory_space<hbm>>
        %dma_start3A_27 = tpu.memref_slice %arg4[%mul3A_19] : memref<4194304xi32, #tpu.memory_space<hbm>> -> memref<4096xi32, #tpu.memory_space<hbm>>
        tpu.enqueue_dma source(%dma_start3A_27 : memref<4096xi32, #tpu.memory_space<hbm>>) target(%arg8 : memref<4096xi32, #tpu.memory_space<vmem>>) target_semaphore(%run_scoped3A : memref<!tpu.dma_semaphore, #tpu.memory_space<semaphore_mem>>)
        %dma_wait3A_28 = tpu.memref_slice %arg4[%mul3A_19] : memref<4194304xi32, #tpu.memory_space<hbm>> -> memref<4096xi32, #tpu.memory_space<hbm>>
        %dma_wait3A_29 = tpu.memref_slice %arg4[%mul3A_19] : memref<4194304xi32, #tpu.memory_space<hbm>> -> memref<4096xi32, #tpu.memory_space<hbm>>
        tpu.wait_dma2 semaphore(%run_scoped3A : memref<!tpu.dma_semaphore, #tpu.memory_space<semaphore_mem>>) src(%dma_wait3A_29 : memref<4096xi32, #tpu.memory_space<hbm>>) dst(%arg8 : memref<4096xi32, #tpu.memory_space<vmem>>)
        tpu.yield
      }) : () -> ()
      %scan3A_20 = arith.constant 0 : i32
      %scan3A_21 = arith.constant 0 : i32
      %scan3A_22 = arith.constant 64 : i32
      %scan3A_23 = arith.addi %scan3A_21, %scan3A_22 : i32
      %scan3A_24 = arith.constant 1 : i32
      scf.for %scan3A_26 = %scan3A_21 to %scan3A_23 step %scan3A_24  : i32 {
        %mul3A_27 = arith.constant 16 : i32
        %mul3A_28 = arith.muli %scan3A_26, %mul3A_27 : i32
        %get3A = arith.constant 0 : i32
        %get3A_29 = arith.index_cast %get3A : i32 to index
        %get3A_30 = arith.index_cast %mul3A_28 : i32 to index
        %get3A_31 = tpu.vector_load %arg7[%get3A_29, %get3A_30] {strides = array<i32>} : memref<40x1024xi32, #tpu.memory_space<vmem>>, vector<16xi32>,
        %get3A_32 = arith.constant 1 : i32
        %get3A_33 = arith.index_cast %get3A_32 : i32 to index
        %get3A_34 = arith.index_cast %mul3A_28 : i32 to index
        %get3A_35 = tpu.vector_load %arg7[%get3A_33, %get3A_34] {strides = array<i32>} : memref<40x1024xi32, #tpu.memory_space<vmem>>, vector<16xi32>,
        %shift_left3A = arith.constant 1 : i32
        %shift_left3A_36 = vector.broadcast %shift_left3A : i32 to vector<16xi32>
        %shift_left3A_37 = arith.shli %get3A_35, %shift_left3A_36 : vector<16xi32>
        %or3A = arith.ori %get3A_31, %shift_left3A_37 : vector<16xi32>
        %get3A_38 = arith.constant 2 : i32
        %get3A_39 = arith.index_cast %get3A_38 : i32 to index
        %get3A_40 = arith.index_cast %mul3A_28 : i32 to index
        %get3A_41 = tpu.vector_load %arg7[%get3A_39, %get3A_40] {strides = array<i32>} : memref<40x1024xi32, #tpu.memory_space<vmem>>, vector<16xi32>,
        %shift_left3A_42 = arith.constant 2 : i32
        %shift_left3A_43 = vector.broadcast %shift_left3A_42 : i32 to vector<16xi32>
        %shift_left3A_44 = arith.shli %get3A_41, %shift_left3A_43 : vector<16xi32>
        %or3A_45 = arith.ori %or3A, %shift_left3A_44 : vector<16xi32>
        %get3A_46 = arith.constant 3 : i32
        %get3A_47 = arith.index_cast %get3A_46 : i32 to index
        %get3A_48 = arith.index_cast %mul3A_28 : i32 to index
        %get3A_49 = tpu.vector_load %arg7[%get3A_47, %get3A_48] {strides = array<i32>} : memref<40x1024xi32, #tpu.memory_space<vmem>>, vector<16xi32>,
        %shift_left3A_50 = arith.constant 3 : i32
        %shift_left3A_51 = vector.broadcast %shift_left3A_50 : i32 to vector<16xi32>
        %shift_left3A_52 = arith.shli %get3A_49, %shift_left3A_51 : vector<16xi32>
        %or3A_53 = arith.ori %or3A_45, %shift_left3A_52 : vector<16xi32>
        %get3A_54 = arith.constant 4 : i32
        %get3A_55 = arith.index_cast %get3A_54 : i32 to index
        %get3A_56 = arith.index_cast %mul3A_28 : i32 to index
        %get3A_57 = tpu.vector_load %arg7[%get3A_55, %get3A_56] {strides = array<i32>} : memref<40x1024xi32, #tpu.memory_space<vmem>>, vector<16xi32>,
        %shift_left3A_58 = arith.constant 4 : i32
        %shift_left3A_59 = vector.broadcast %shift_left3A_58 : i32 to vector<16xi32>
        %shift_left3A_60 = arith.shli %get3A_57, %shift_left3A_59 : vector<16xi32>
        %or3A_61 = arith.ori %or3A_53, %shift_left3A_60 : vector<16xi32>
        %get3A_62 = arith.constant 5 : i32
        %get3A_63 = arith.index_cast %get3A_62 : i32 to index
        %get3A_64 = arith.index_cast %mul3A_28 : i32 to index
        %get3A_65 = tpu.vector_load %arg7[%get3A_63, %get3A_64] {strides = array<i32>} : memref<40x1024xi32, #tpu.memory_space<vmem>>, vector<16xi32>,
        %shift_left3A_66 = arith.constant 5 : i32
        %shift_left3A_67 = vector.broadcast %shift_left3A_66 : i32 to vector<16xi32>
        %shift_left3A_68 = arith.shli %get3A_65, %shift_left3A_67 : vector<16xi32>
        %or3A_69 = arith.ori %or3A_61, %shift_left3A_68 : vector<16xi32>
        %get3A_70 = arith.constant 6 : i32
        %get3A_71 = arith.index_cast %get3A_70 : i32 to index
        %get3A_72 = arith.index_cast %mul3A_28 : i32 to index
        %get3A_73 = tpu.vector_load %arg7[%get3A_71, %get3A_72] {strides = array<i32>} : memref<40x1024xi32, #tpu.memory_space<vmem>>, vector<16xi32>,
        %shift_left3A_74 = arith.constant 6 : i32
        %shift_left3A_75 = vector.broadcast %shift_left3A_74 : i32 to vector<16xi32>
        %shift_left3A_76 = arith.shli %get3A_73, %shift_left3A_75 : vector<16xi32>
        %or3A_77 = arith.ori %or3A_69, %shift_left3A_76 : vector<16xi32>
        %get3A_78 = arith.constant 7 : i32
        %get3A_79 = arith.index_cast %get3A_78 : i32 to index
        %get3A_80 = arith.index_cast %mul3A_28 : i32 to index
        %get3A_81 = tpu.vector_load %arg7[%get3A_79, %get3A_80] {strides = array<i32>} : memref<40x1024xi32, #tpu.memory_space<vmem>>, vector<16xi32>,
        %shift_left3A_82 = arith.constant 7 : i32
        %shift_left3A_83 = vector.broadcast %shift_left3A_82 : i32 to vector<16xi32>
        %shift_left3A_84 = arith.shli %get3A_81, %shift_left3A_83 : vector<16xi32>
        %or3A_85 = arith.ori %or3A_77, %shift_left3A_84 : vector<16xi32>
        %get3A_86 = arith.constant 8 : i32
        %get3A_87 = arith.index_cast %get3A_86 : i32 to index
        %get3A_88 = arith.index_cast %mul3A_28 : i32 to index
        %get3A_89 = tpu.vector_load %arg7[%get3A_87, %get3A_88] {strides = array<i32>} : memref<40x1024xi32, #tpu.memory_space<vmem>>, vector<16xi32>,
        %shift_left3A_90 = arith.constant 8 : i32
        %shift_left3A_91 = vector.broadcast %shift_left3A_90 : i32 to vector<16xi32>
        %shift_left3A_92 = arith.shli %get3A_89, %shift_left3A_91 : vector<16xi32>
        %or3A_93 = arith.ori %or3A_85, %shift_left3A_92 : vector<16xi32>
        %get3A_94 = arith.constant 9 : i32
        %get3A_95 = arith.index_cast %get3A_94 : i32 to index
        %get3A_96 = arith.index_cast %mul3A_28 : i32 to index
        %get3A_97 = tpu.vector_load %arg7[%get3A_95, %get3A_96] {strides = array<i32>} : memref<40x1024xi32, #tpu.memory_space<vmem>>, vector<16xi32>,
        %shift_left3A_98 = arith.constant 9 : i32
        %shift_left3A_99 = vector.broadcast %shift_left3A_98 : i32 to vector<16xi32>
        %shift_left3A_100 = arith.shli %get3A_97, %shift_left3A_99 : vector<16xi32>
        %or3A_101 = arith.ori %or3A_93, %shift_left3A_100 : vector<16xi32>
        %add3A_102 = arith.constant 0 : i32
        %add3A_103 = vector.broadcast %add3A_102 : i32 to vector<16xi32>
        %add3A_104 = arith.addi %or3A_101, %add3A_103 : vector<16xi32>
        %gather3A = tpu.vector_load_idx %arg8[%add3A_104] : memref<4096xi32, #tpu.memory_space<vmem>>[vector<16xi32>], vector<16xi32>,
        %and3A = arith.constant 1 : i32
        %and3A_105 = vector.broadcast %and3A : i32 to vector<16xi32>
        %and3A_106 = arith.andi %gather3A, %and3A_105 : vector<16xi32>
        %swap3A = arith.constant 0 : i32
        %swap3A_107 = arith.index_cast %swap3A : i32 to index
        %swap3A_108 = arith.index_cast %mul3A_28 : i32 to index
        %swap3A_109 = tpu.vector_load %arg9[%swap3A_107, %swap3A_108] {strides = array<i32>} : memref<4x1024xi32, #tpu.memory_space<vmem>>, vector<16xi32>,
        tpu.vector_store %arg9[%swap3A_107, %swap3A_108], %and3A_106 {strides = array<i32>} : memref<4x1024xi32, #tpu.memory_space<vmem>>, vector<16xi32>,
        %get3A_110 = arith.constant 10 : i32
        %get3A_111 = arith.index_cast %get3A_110 : i32 to index
        %get3A_112 = arith.index_cast %mul3A_28 : i32 to index
        %get3A_113 = tpu.vector_load %arg7[%get3A_111, %get3A_112] {strides = array<i32>} : memref<40x1024xi32, #tpu.memory_space<vmem>>, vector<16xi32>,
        %get3A_114 = arith.constant 11 : i32
        %get3A_115 = arith.index_cast %get3A_114 : i32 to index
        %get3A_116 = arith.index_cast %mul3A_28 : i32 to index
        %get3A_117 = tpu.vector_load %arg7[%get3A_115, %get3A_116] {strides = array<i32>} : memref<40x1024xi32, #tpu.memory_space<vmem>>, vector<16xi32>,
        %shift_left3A_118 = arith.constant 1 : i32
        %shift_left3A_119 = vector.broadcast %shift_left3A_118 : i32 to vector<16xi32>
        %shift_left3A_120 = arith.shli %get3A_117, %shift_left3A_119 : vector<16xi32>
        %or3A_121 = arith.ori %get3A_113, %shift_left3A_120 : vector<16xi32>
        %get3A_122 = arith.constant 12 : i32
        %get3A_123 = arith.index_cast %get3A_122 : i32 to index
        %get3A_124 = arith.index_cast %mul3A_28 : i32 to index
        %get3A_125 = tpu.vector_load %arg7[%get3A_123, %get3A_124] {strides = array<i32>} : memref<40x1024xi32, #tpu.memory_space<vmem>>, vector<16xi32>,
        %shift_left3A_126 = arith.constant 2 : i32
        %shift_left3A_127 = vector.broadcast %shift_left3A_126 : i32 to vector<16xi32>
        %shift_left3A_128 = arith.shli %get3A_125, %shift_left3A_127 : vector<16xi32>
        %or3A_129 = arith.ori %or3A_121, %shift_left3A_128 : vector<16xi32>
        %get3A_130 = arith.constant 13 : i32
        %get3A_131 = arith.index_cast %get3A_130 : i32 to index
        %get3A_132 = arith.index_cast %mul3A_28 : i32 to index
        %get3A_133 = tpu.vector_load %arg7[%get3A_131, %get3A_132] {strides = array<i32>} : memref<40x1024xi32, #tpu.memory_space<vmem>>, vector<16xi32>,
        %shift_left3A_134 = arith.constant 3 : i32
        %shift_left3A_135 = vector.broadcast %shift_left3A_134 : i32 to vector<16xi32>
        %shift_left3A_136 = arith.shli %get3A_133, %shift_left3A_135 : vector<16xi32>
        %or3A_137 = arith.ori %or3A_129, %shift_left3A_136 : vector<16xi32>
        %get3A_138 = arith.constant 14 : i32
        %get3A_139 = arith.index_cast %get3A_138 : i32 to index
        %get3A_140 = arith.index_cast %mul3A_28 : i32 to index
        %get3A_141 = tpu.vector_load %arg7[%get3A_139, %get3A_140] {strides = array<i32>} : memref<40x1024xi32, #tpu.memory_space<vmem>>, vector<16xi32>,
        %shift_left3A_142 = arith.constant 4 : i32
        %shift_left3A_143 = vector.broadcast %shift_left3A_142 : i32 to vector<16xi32>
        %shift_left3A_144 = arith.shli %get3A_141, %shift_left3A_143 : vector<16xi32>
        %or3A_145 = arith.ori %or3A_137, %shift_left3A_144 : vector<16xi32>
        %get3A_146 = arith.constant 15 : i32
        %get3A_147 = arith.index_cast %get3A_146 : i32 to index
        %get3A_148 = arith.index_cast %mul3A_28 : i32 to index
        %get3A_149 = tpu.vector_load %arg7[%get3A_147, %get3A_148] {strides = array<i32>} : memref<40x1024xi32, #tpu.memory_space<vmem>>, vector<16xi32>,
        %shift_left3A_150 = arith.constant 5 : i32
        %shift_left3A_151 = vector.broadcast %shift_left3A_150 : i32 to vector<16xi32>
        %shift_left3A_152 = arith.shli %get3A_149, %shift_left3A_151 : vector<16xi32>
        %or3A_153 = arith.ori %or3A_145, %shift_left3A_152 : vector<16xi32>
        %get3A_154 = arith.constant 16 : i32
        %get3A_155 = arith.index_cast %get3A_154 : i32 to index
        %get3A_156 = arith.index_cast %mul3A_28 : i32 to index
        %get3A_157 = tpu.vector_load %arg7[%get3A_155, %get3A_156] {strides = array<i32>} : memref<40x1024xi32, #tpu.memory_space<vmem>>, vector<16xi32>,
        %shift_left3A_158 = arith.constant 6 : i32
        %shift_left3A_159 = vector.broadcast %shift_left3A_158 : i32 to vector<16xi32>
        %shift_left3A_160 = arith.shli %get3A_157, %shift_left3A_159 : vector<16xi32>
        %or3A_161 = arith.ori %or3A_153, %shift_left3A_160 : vector<16xi32>
        %get3A_162 = arith.constant 17 : i32
        %get3A_163 = arith.index_cast %get3A_162 : i32 to index
        %get3A_164 = arith.index_cast %mul3A_28 : i32 to index
        %get3A_165 = tpu.vector_load %arg7[%get3A_163, %get3A_164] {strides = array<i32>} : memref<40x1024xi32, #tpu.memory_space<vmem>>, vector<16xi32>,
        %shift_left3A_166 = arith.constant 7 : i32
        %shift_left3A_167 = vector.broadcast %shift_left3A_166 : i32 to vector<16xi32>
        %shift_left3A_168 = arith.shli %get3A_165, %shift_left3A_167 : vector<16xi32>
        %or3A_169 = arith.ori %or3A_161, %shift_left3A_168 : vector<16xi32>
        %get3A_170 = arith.constant 18 : i32
        %get3A_171 = arith.index_cast %get3A_170 : i32 to index
        %get3A_172 = arith.index_cast %mul3A_28 : i32 to index
        %get3A_173 = tpu.vector_load %arg7[%get3A_171, %get3A_172] {strides = array<i32>} : memref<40x1024xi32, #tpu.memory_space<vmem>>, vector<16xi32>,
        %shift_left3A_174 = arith.constant 8 : i32
        %shift_left3A_175 = vector.broadcast %shift_left3A_174 : i32 to vector<16xi32>
        %shift_left3A_176 = arith.shli %get3A_173, %shift_left3A_175 : vector<16xi32>
        %or3A_177 = arith.ori %or3A_169, %shift_left3A_176 : vector<16xi32>
        %get3A_178 = arith.constant 19 : i32
        %get3A_179 = arith.index_cast %get3A_178 : i32 to index
        %get3A_180 = arith.index_cast %mul3A_28 : i32 to index
        %get3A_181 = tpu.vector_load %arg7[%get3A_179, %get3A_180] {strides = array<i32>} : memref<40x1024xi32, #tpu.memory_space<vmem>>, vector<16xi32>,
        %shift_left3A_182 = arith.constant 9 : i32
        %shift_left3A_183 = vector.broadcast %shift_left3A_182 : i32 to vector<16xi32>
        %shift_left3A_184 = arith.shli %get3A_181, %shift_left3A_183 : vector<16xi32>
        %or3A_185 = arith.ori %or3A_177, %shift_left3A_184 : vector<16xi32>
        %add3A_186 = arith.constant 1024 : i32
        %add3A_187 = vector.broadcast %add3A_186 : i32 to vector<16xi32>
        %add3A_188 = arith.addi %or3A_185, %add3A_187 : vector<16xi32>
        %gather3A_189 = tpu.vector_load_idx %arg8[%add3A_188] : memref<4096xi32, #tpu.memory_space<vmem>>[vector<16xi32>], vector<16xi32>,
        %and3A_190 = arith.constant 1 : i32
        %and3A_191 = vector.broadcast %and3A_190 : i32 to vector<16xi32>
        %and3A_192 = arith.andi %gather3A_189, %and3A_191 : vector<16xi32>
        %swap3A_193 = arith.constant 1 : i32
        %swap3A_194 = arith.index_cast %swap3A_193 : i32 to index
        %swap3A_195 = arith.index_cast %mul3A_28 : i32 to index
        %swap3A_196 = tpu.vector_load %arg9[%swap3A_194, %swap3A_195] {strides = array<i32>} : memref<4x1024xi32, #tpu.memory_space<vmem>>, vector<16xi32>,
        tpu.vector_store %arg9[%swap3A_194, %swap3A_195], %and3A_192 {strides = array<i32>} : memref<4x1024xi32, #tpu.memory_space<vmem>>, vector<16xi32>,
        %get3A_197 = arith.constant 20 : i32
        %get3A_198 = arith.index_cast %get3A_197 : i32 to index
        %get3A_199 = arith.index_cast %mul3A_28 : i32 to index
        %get3A_200 = tpu.vector_load %arg7[%get3A_198, %get3A_199] {strides = array<i32>} : memref<40x1024xi32, #tpu.memory_space<vmem>>, vector<16xi32>,
        %get3A_201 = arith.constant 21 : i32
        %get3A_202 = arith.index_cast %get3A_201 : i32 to index
        %get3A_203 = arith.index_cast %mul3A_28 : i32 to index
        %get3A_204 = tpu.vector_load %arg7[%get3A_202, %get3A_203] {strides = array<i32>} : memref<40x1024xi32, #tpu.memory_space<vmem>>, vector<16xi32>,
        %shift_left3A_205 = arith.constant 1 : i32
        %shift_left3A_206 = vector.broadcast %shift_left3A_205 : i32 to vector<16xi32>
        %shift_left3A_207 = arith.shli %get3A_204, %shift_left3A_206 : vector<16xi32>
        %or3A_208 = arith.ori %get3A_200, %shift_left3A_207 : vector<16xi32>
        %get3A_209 = arith.constant 22 : i32
        %get3A_210 = arith.index_cast %get3A_209 : i32 to index
        %get3A_211 = arith.index_cast %mul3A_28 : i32 to index
        %get3A_212 = tpu.vector_load %arg7[%get3A_210, %get3A_211] {strides = array<i32>} : memref<40x1024xi32, #tpu.memory_space<vmem>>, vector<16xi32>,
        %shift_left3A_213 = arith.constant 2 : i32
        %shift_left3A_214 = vector.broadcast %shift_left3A_213 : i32 to vector<16xi32>
        %shift_left3A_215 = arith.shli %get3A_212, %shift_left3A_214 : vector<16xi32>
        %or3A_216 = arith.ori %or3A_208, %shift_left3A_215 : vector<16xi32>
        %get3A_217 = arith.constant 23 : i32
        %get3A_218 = arith.index_cast %get3A_217 : i32 to index
        %get3A_219 = arith.index_cast %mul3A_28 : i32 to index
        %get3A_220 = tpu.vector_load %arg7[%get3A_218, %get3A_219] {strides = array<i32>} : memref<40x1024xi32, #tpu.memory_space<vmem>>, vector<16xi32>,
        %shift_left3A_221 = arith.constant 3 : i32
        %shift_left3A_222 = vector.broadcast %shift_left3A_221 : i32 to vector<16xi32>
        %shift_left3A_223 = arith.shli %get3A_220, %shift_left3A_222 : vector<16xi32>
        %or3A_224 = arith.ori %or3A_216, %shift_left3A_223 : vector<16xi32>
        %get3A_225 = arith.constant 24 : i32
        %get3A_226 = arith.index_cast %get3A_225 : i32 to index
        %get3A_227 = arith.index_cast %mul3A_28 : i32 to index
        %get3A_228 = tpu.vector_load %arg7[%get3A_226, %get3A_227] {strides = array<i32>} : memref<40x1024xi32, #tpu.memory_space<vmem>>, vector<16xi32>,
        %shift_left3A_229 = arith.constant 4 : i32
        %shift_left3A_230 = vector.broadcast %shift_left3A_229 : i32 to vector<16xi32>
        %shift_left3A_231 = arith.shli %get3A_228, %shift_left3A_230 : vector<16xi32>
        %or3A_232 = arith.ori %or3A_224, %shift_left3A_231 : vector<16xi32>
        %get3A_233 = arith.constant 25 : i32
        %get3A_234 = arith.index_cast %get3A_233 : i32 to index
        %get3A_235 = arith.index_cast %mul3A_28 : i32 to index
        %get3A_236 = tpu.vector_load %arg7[%get3A_234, %get3A_235] {strides = array<i32>} : memref<40x1024xi32, #tpu.memory_space<vmem>>, vector<16xi32>,
        %shift_left3A_237 = arith.constant 5 : i32
        %shift_left3A_238 = vector.broadcast %shift_left3A_237 : i32 to vector<16xi32>
        %shift_left3A_239 = arith.shli %get3A_236, %shift_left3A_238 : vector<16xi32>
        %or3A_240 = arith.ori %or3A_232, %shift_left3A_239 : vector<16xi32>
        %get3A_241 = arith.constant 26 : i32
        %get3A_242 = arith.index_cast %get3A_241 : i32 to index
        %get3A_243 = arith.index_cast %mul3A_28 : i32 to index
        %get3A_244 = tpu.vector_load %arg7[%get3A_242, %get3A_243] {strides = array<i32>} : memref<40x1024xi32, #tpu.memory_space<vmem>>, vector<16xi32>,
        %shift_left3A_245 = arith.constant 6 : i32
        %shift_left3A_246 = vector.broadcast %shift_left3A_245 : i32 to vector<16xi32>
        %shift_left3A_247 = arith.shli %get3A_244, %shift_left3A_246 : vector<16xi32>
        %or3A_248 = arith.ori %or3A_240, %shift_left3A_247 : vector<16xi32>
        %get3A_249 = arith.constant 27 : i32
        %get3A_250 = arith.index_cast %get3A_249 : i32 to index
        %get3A_251 = arith.index_cast %mul3A_28 : i32 to index
        %get3A_252 = tpu.vector_load %arg7[%get3A_250, %get3A_251] {strides = array<i32>} : memref<40x1024xi32, #tpu.memory_space<vmem>>, vector<16xi32>,
        %shift_left3A_253 = arith.constant 7 : i32
        %shift_left3A_254 = vector.broadcast %shift_left3A_253 : i32 to vector<16xi32>
        %shift_left3A_255 = arith.shli %get3A_252, %shift_left3A_254 : vector<16xi32>
        %or3A_256 = arith.ori %or3A_248, %shift_left3A_255 : vector<16xi32>
        %get3A_257 = arith.constant 28 : i32
        %get3A_258 = arith.index_cast %get3A_257 : i32 to index
        %get3A_259 = arith.index_cast %mul3A_28 : i32 to index
        %get3A_260 = tpu.vector_load %arg7[%get3A_258, %get3A_259] {strides = array<i32>} : memref<40x1024xi32, #tpu.memory_space<vmem>>, vector<16xi32>,
        %shift_left3A_261 = arith.constant 8 : i32
        %shift_left3A_262 = vector.broadcast %shift_left3A_261 : i32 to vector<16xi32>
        %shift_left3A_263 = arith.shli %get3A_260, %shift_left3A_262 : vector<16xi32>
        %or3A_264 = arith.ori %or3A_256, %shift_left3A_263 : vector<16xi32>
        %get3A_265 = arith.constant 29 : i32
        %get3A_266 = arith.index_cast %get3A_265 : i32 to index
        %get3A_267 = arith.index_cast %mul3A_28 : i32 to index
        %get3A_268 = tpu.vector_load %arg7[%get3A_266, %get3A_267] {strides = array<i32>} : memref<40x1024xi32, #tpu.memory_space<vmem>>, vector<16xi32>,
        %shift_left3A_269 = arith.constant 9 : i32
        %shift_left3A_270 = vector.broadcast %shift_left3A_269 : i32 to vector<16xi32>
        %shift_left3A_271 = arith.shli %get3A_268, %shift_left3A_270 : vector<16xi32>
        %or3A_272 = arith.ori %or3A_264, %shift_left3A_271 : vector<16xi32>
        %add3A_273 = arith.constant 2048 : i32
        %add3A_274 = vector.broadcast %add3A_273 : i32 to vector<16xi32>
        %add3A_275 = arith.addi %or3A_272, %add3A_274 : vector<16xi32>
        %gather3A_276 = tpu.vector_load_idx %arg8[%add3A_275] : memref<4096xi32, #tpu.memory_space<vmem>>[vector<16xi32>], vector<16xi32>,
        %and3A_277 = arith.constant 1 : i32
        %and3A_278 = vector.broadcast %and3A_277 : i32 to vector<16xi32>
        %and3A_279 = arith.andi %gather3A_276, %and3A_278 : vector<16xi32>
        %swap3A_280 = arith.constant 2 : i32
        %swap3A_281 = arith.index_cast %swap3A_280 : i32 to index
        %swap3A_282 = arith.index_cast %mul3A_28 : i32 to index
        %swap3A_283 = tpu.vector_load %arg9[%swap3A_281, %swap3A_282] {strides = array<i32>} : memref<4x1024xi32, #tpu.memory_space<vmem>>, vector<16xi32>,
        tpu.vector_store %arg9[%swap3A_281, %swap3A_282], %and3A_279 {strides = array<i32>} : memref<4x1024xi32, #tpu.memory_space<vmem>>, vector<16xi32>,
        %get3A_284 = arith.constant 30 : i32
        %get3A_285 = arith.index_cast %get3A_284 : i32 to index
        %get3A_286 = arith.index_cast %mul3A_28 : i32 to index
        %get3A_287 = tpu.vector_load %arg7[%get3A_285, %get3A_286] {strides = array<i32>} : memref<40x1024xi32, #tpu.memory_space<vmem>>, vector<16xi32>,
        %get3A_288 = arith.constant 31 : i32
        %get3A_289 = arith.index_cast %get3A_288 : i32 to index
        %get3A_290 = arith.index_cast %mul3A_28 : i32 to index
        %get3A_291 = tpu.vector_load %arg7[%get3A_289, %get3A_290] {strides = array<i32>} : memref<40x1024xi32, #tpu.memory_space<vmem>>, vector<16xi32>,
        %shift_left3A_292 = arith.constant 1 : i32
        %shift_left3A_293 = vector.broadcast %shift_left3A_292 : i32 to vector<16xi32>
        %shift_left3A_294 = arith.shli %get3A_291, %shift_left3A_293 : vector<16xi32>
        %or3A_295 = arith.ori %get3A_287, %shift_left3A_294 : vector<16xi32>
        %get3A_296 = arith.constant 32 : i32
        %get3A_297 = arith.index_cast %get3A_296 : i32 to index
        %get3A_298 = arith.index_cast %mul3A_28 : i32 to index
        %get3A_299 = tpu.vector_load %arg7[%get3A_297, %get3A_298] {strides = array<i32>} : memref<40x1024xi32, #tpu.memory_space<vmem>>, vector<16xi32>,
        %shift_left3A_300 = arith.constant 2 : i32
        %shift_left3A_301 = vector.broadcast %shift_left3A_300 : i32 to vector<16xi32>
        %shift_left3A_302 = arith.shli %get3A_299, %shift_left3A_301 : vector<16xi32>
        %or3A_303 = arith.ori %or3A_295, %shift_left3A_302 : vector<16xi32>
        %get3A_304 = arith.constant 33 : i32
        %get3A_305 = arith.index_cast %get3A_304 : i32 to index
        %get3A_306 = arith.index_cast %mul3A_28 : i32 to index
        %get3A_307 = tpu.vector_load %arg7[%get3A_305, %get3A_306] {strides = array<i32>} : memref<40x1024xi32, #tpu.memory_space<vmem>>, vector<16xi32>,
        %shift_left3A_308 = arith.constant 3 : i32
        %shift_left3A_309 = vector.broadcast %shift_left3A_308 : i32 to vector<16xi32>
        %shift_left3A_310 = arith.shli %get3A_307, %shift_left3A_309 : vector<16xi32>
        %or3A_311 = arith.ori %or3A_303, %shift_left3A_310 : vector<16xi32>
        %get3A_312 = arith.constant 34 : i32
        %get3A_313 = arith.index_cast %get3A_312 : i32 to index
        %get3A_314 = arith.index_cast %mul3A_28 : i32 to index
        %get3A_315 = tpu.vector_load %arg7[%get3A_313, %get3A_314] {strides = array<i32>} : memref<40x1024xi32, #tpu.memory_space<vmem>>, vector<16xi32>,
        %shift_left3A_316 = arith.constant 4 : i32
        %shift_left3A_317 = vector.broadcast %shift_left3A_316 : i32 to vector<16xi32>
        %shift_left3A_318 = arith.shli %get3A_315, %shift_left3A_317 : vector<16xi32>
        %or3A_319 = arith.ori %or3A_311, %shift_left3A_318 : vector<16xi32>
        %get3A_320 = arith.constant 35 : i32
        %get3A_321 = arith.index_cast %get3A_320 : i32 to index
        %get3A_322 = arith.index_cast %mul3A_28 : i32 to index
        %get3A_323 = tpu.vector_load %arg7[%get3A_321, %get3A_322] {strides = array<i32>} : memref<40x1024xi32, #tpu.memory_space<vmem>>, vector<16xi32>,
        %shift_left3A_324 = arith.constant 5 : i32
        %shift_left3A_325 = vector.broadcast %shift_left3A_324 : i32 to vector<16xi32>
        %shift_left3A_326 = arith.shli %get3A_323, %shift_left3A_325 : vector<16xi32>
        %or3A_327 = arith.ori %or3A_319, %shift_left3A_326 : vector<16xi32>
        %get3A_328 = arith.constant 36 : i32
        %get3A_329 = arith.index_cast %get3A_328 : i32 to index
        %get3A_330 = arith.index_cast %mul3A_28 : i32 to index
        %get3A_331 = tpu.vector_load %arg7[%get3A_329, %get3A_330] {strides = array<i32>} : memref<40x1024xi32, #tpu.memory_space<vmem>>, vector<16xi32>,
        %shift_left3A_332 = arith.constant 6 : i32
        %shift_left3A_333 = vector.broadcast %shift_left3A_332 : i32 to vector<16xi32>
        %shift_left3A_334 = arith.shli %get3A_331, %shift_left3A_333 : vector<16xi32>
        %or3A_335 = arith.ori %or3A_327, %shift_left3A_334 : vector<16xi32>
        %get3A_336 = arith.constant 37 : i32
        %get3A_337 = arith.index_cast %get3A_336 : i32 to index
        %get3A_338 = arith.index_cast %mul3A_28 : i32 to index
        %get3A_339 = tpu.vector_load %arg7[%get3A_337, %get3A_338] {strides = array<i32>} : memref<40x1024xi32, #tpu.memory_space<vmem>>, vector<16xi32>,
        %shift_left3A_340 = arith.constant 7 : i32
        %shift_left3A_341 = vector.broadcast %shift_left3A_340 : i32 to vector<16xi32>
        %shift_left3A_342 = arith.shli %get3A_339, %shift_left3A_341 : vector<16xi32>
        %or3A_343 = arith.ori %or3A_335, %shift_left3A_342 : vector<16xi32>
        %get3A_344 = arith.constant 38 : i32
        %get3A_345 = arith.index_cast %get3A_344 : i32 to index
        %get3A_346 = arith.index_cast %mul3A_28 : i32 to index
        %get3A_347 = tpu.vector_load %arg7[%get3A_345, %get3A_346] {strides = array<i32>} : memref<40x1024xi32, #tpu.memory_space<vmem>>, vector<16xi32>,
        %shift_left3A_348 = arith.constant 8 : i32
        %shift_left3A_349 = vector.broadcast %shift_left3A_348 : i32 to vector<16xi32>
        %shift_left3A_350 = arith.shli %get3A_347, %shift_left3A_349 : vector<16xi32>
        %or3A_351 = arith.ori %or3A_343, %shift_left3A_350 : vector<16xi32>
        %get3A_352 = arith.constant 39 : i32
        %get3A_353 = arith.index_cast %get3A_352 : i32 to index
        %get3A_354 = arith.index_cast %mul3A_28 : i32 to index
        %get3A_355 = tpu.vector_load %arg7[%get3A_353, %get3A_354] {strides = array<i32>} : memref<40x1024xi32, #tpu.memory_space<vmem>>, vector<16xi32>,
        %shift_left3A_356 = arith.constant 9 : i32
        %shift_left3A_357 = vector.broadcast %shift_left3A_356 : i32 to vector<16xi32>
        %shift_left3A_358 = arith.shli %get3A_355, %shift_left3A_357 : vector<16xi32>
        %or3A_359 = arith.ori %or3A_351, %shift_left3A_358 : vector<16xi32>
        %add3A_360 = arith.constant 3072 : i32
        %add3A_361 = vector.broadcast %add3A_360 : i32 to vector<16xi32>
        %add3A_362 = arith.addi %or3A_359, %add3A_361 : vector<16xi32>
        %gather3A_363 = tpu.vector_load_idx %arg8[%add3A_362] : memref<4096xi32, #tpu.memory_space<vmem>>[vector<16xi32>], vector<16xi32>,
        %and3A_364 = arith.constant 1 : i32
        %and3A_365 = vector.broadcast %and3A_364 : i32 to vector<16xi32>
        %and3A_366 = arith.andi %gather3A_363, %and3A_365 : vector<16xi32>
        %swap3A_367 = arith.constant 3 : i32
        %swap3A_368 = arith.index_cast %swap3A_367 : i32 to index
        %swap3A_369 = arith.index_cast %mul3A_28 : i32 to index
        %swap3A_370 = tpu.vector_load %arg9[%swap3A_368, %swap3A_369] {strides = array<i32>} : memref<4x1024xi32, #tpu.memory_space<vmem>>, vector<16xi32>,
        tpu.vector_store %arg9[%swap3A_368, %swap3A_369], %and3A_366 {strides = array<i32>} : memref<4x1024xi32, #tpu.memory_space<vmem>>, vector<16xi32>,
      }
      %scan3A_25 = arith.constant 64 : i32
      "tpu.region"() ({
        %run_scoped3A = tpu.sem_alloc : memref<!tpu.dma_semaphore, #tpu.memory_space<semaphore_mem>>
        %dma_start3A_26 = arith.constant 0 : i32
        %dma_start3A_27 = tpu.memref_slice %arg5[%add3A_11, %dma_start3A_26] : memref<4096x1024xi32, #tpu.memory_space<hbm>> -> memref<4x1024xi32, #tpu.memory_space<hbm>>
        %dma_start3A_28 = arith.constant 0 : i32
        %dma_start3A_29 = tpu.memref_slice %arg5[%add3A_11, %dma_start3A_28] : memref<4096x1024xi32, #tpu.memory_space<hbm>> -> memref<4x1024xi32, #tpu.memory_space<hbm>>
        tpu.enqueue_dma source(%arg9 : memref<4x1024xi32, #tpu.memory_space<vmem>>) target(%dma_start3A_29 : memref<4x1024xi32, #tpu.memory_space<hbm>>) target_semaphore(%run_scoped3A : memref<!tpu.dma_semaphore, #tpu.memory_space<semaphore_mem>>)
        %dma_wait3A_30 = arith.constant 0 : i32
        %dma_wait3A_31 = tpu.memref_slice %arg5[%add3A_11, %dma_wait3A_30] : memref<4096x1024xi32, #tpu.memory_space<hbm>> -> memref<4x1024xi32, #tpu.memory_space<hbm>>
        %dma_wait3A_32 = arith.constant 0 : i32
        %dma_wait3A_33 = tpu.memref_slice %arg5[%add3A_11, %dma_wait3A_32] : memref<4096x1024xi32, #tpu.memory_space<hbm>> -> memref<4x1024xi32, #tpu.memory_space<hbm>>
        tpu.wait_dma2 semaphore(%run_scoped3A : memref<!tpu.dma_semaphore, #tpu.memory_space<semaphore_mem>>) src(%arg9 : memref<4x1024xi32, #tpu.memory_space<vmem>>) dst(%dma_wait3A_33 : memref<4x1024xi32, #tpu.memory_space<hbm>>)
        tpu.yield
      }) : () -> ()
    }
    %scan3A_7 = arith.constant 32 : i32
    return
  }
}

module attributes {stable_mosaic.version = 14 : i64} {
  func.func @_tp_body(%arg0: i32, %arg1: i32, %arg2: memref<256x256xi32, #tpu.memory_space<vmem>>, %arg3: memref<256x256xi32, #tpu.memory_space<vmem>>) attributes {dimension_semantics = [#tpu.dimension_semantics<arbitrary>, #tpu.dimension_semantics<arbitrary>], iteration_bounds = array<i64: 16, 4>, scalar_prefetch = 0 : i64, scratch_operands = 0 : i64, tpu.core_type = #tpu.core_type<tc>, window_params = [{transform_indices = @transform_0, window_bounds = array<i64: 256, 256>}, {transform_indices = @transform_1, window_bounds = array<i64: 256, 256>}]} {
    %get3A = arith.constant 0 : index
    %get3A_0 = arith.constant 0 : index
    %get3A_1 = vector.load %arg2[%get3A, %get3A_0] : memref<256x256xi32, #tpu.memory_space<vmem>>, vector<256x256xi32>
    %transpose3A = tpu.transpose %get3A_1, [1, 0] : vector<256x256xi32> -> vector<256x256xi32>
    %swap3A = arith.constant 0 : index
    %swap3A_2 = arith.constant 0 : index
    %swap3A_3 = vector.load %arg3[%swap3A, %swap3A_2] : memref<256x256xi32, #tpu.memory_space<vmem>>, vector<256x256xi32>
    tpu.vector_store %arg3[%swap3A, %swap3A_2], %transpose3A {strides = array<i32>} : memref<256x256xi32, #tpu.memory_space<vmem>>, vector<256x256xi32>,
    return
  }
  func.func @transform_0(%arg0: i32, %arg1: i32) -> (i32, i32) {
    %c0_i32 = arith.constant 0 : i32
    return %arg1, %arg0 : i32, i32
  }
  func.func @transform_1(%arg0: i32, %arg1: i32) -> (i32, i32) {
    %c0_i32 = arith.constant 0 : i32
    return %arg0, %arg1 : i32, i32
  }
}

module attributes {stable_mosaic.version = 14 : i64} {
  func.func @_tp_cast_body(%arg0: i32, %arg1: i32, %arg2: memref<256x256xi32, #tpu.memory_space<vmem>>, %arg3: memref<256x256xi8, #tpu.memory_space<vmem>>) attributes {dimension_semantics = [#tpu.dimension_semantics<arbitrary>, #tpu.dimension_semantics<arbitrary>], iteration_bounds = array<i64: 4, 16>, scalar_prefetch = 0 : i64, scratch_operands = 0 : i64, tpu.core_type = #tpu.core_type<tc>, window_params = [{transform_indices = @transform_0, window_bounds = array<i64: 256, 256>}, {transform_indices = @transform_1, window_bounds = array<i64: 256, 256>}]} {
    %get3A = arith.constant 0 : index
    %get3A_0 = arith.constant 0 : index
    %get3A_1 = vector.load %arg2[%get3A, %get3A_0] : memref<256x256xi32, #tpu.memory_space<vmem>>, vector<256x256xi32>
    %transpose3A = tpu.transpose %get3A_1, [1, 0] : vector<256x256xi32> -> vector<256x256xi32>
    %convert_element_type3A = arith.trunci %transpose3A : vector<256x256xi32> to vector<256x256xi8>
    %swap3A = arith.constant 0 : index
    %swap3A_2 = arith.constant 0 : index
    %swap3A_3 = vector.load %arg3[%swap3A, %swap3A_2] : memref<256x256xi8, #tpu.memory_space<vmem>>, vector<256x256xi8>
    tpu.vector_store %arg3[%swap3A, %swap3A_2], %convert_element_type3A {strides = array<i32>} : memref<256x256xi8, #tpu.memory_space<vmem>>, vector<256x256xi8>,
    return
  }
  func.func @transform_0(%arg0: i32, %arg1: i32) -> (i32, i32) {
    %c0_i32 = arith.constant 0 : i32
    return %arg1, %arg0 : i32, i32
  }
  func.func @transform_1(%arg0: i32, %arg1: i32) -> (i32, i32) {
    %c0_i32 = arith.constant 0 : i32
    return %arg0, %arg1 : i32, i32
  }
}

</mosaic_0001>

<sc_bundles>
// kernel: kernel.5.cloned.1.call-start
scs
__scs_entry_jumppad:
0x0: {  	(pc) =	sbr.rel $0x88, $3  }
0x1: {  	(tag) =	ssettag $0x0;
	lr =	simm.s32 $0x1  }
0x2: {  	[smem:$0x3F9E] =	sst lr;
	_ =	strace $0xD0000000  }
0x3: {  	_ = 	snop  }
0x4: {  	_ = 	snop  }
0x5: {  	_ = 	snop  }
0x6: {  	_ = 	snop  }
0x7: {  	_ = 	snop  }
__scs_overlays_trampoline_lowered:
0x8: {  	[smem:$0x3FAD] =	sst s0  }
0x9: {  	[smem:$0x3FAE] =	sst s1  }
0xa: {  	[smem:$0x3FAF] =	sst s2  }
0xb: {  	[smem:$0x3FB0] =	sst s3  }
0xc: {  	[smem:$0x3FB1] =	sst s4  }
0xd: {  	[smem:$0x3FB2] =	sst s5  }
0xe: {  	[smem:$0x3FB3] =	sst s6  }
0xf: {  	[smem:$0x3FB4] =	sst s7  }
0x10: {  	[smem:$0x3FB5] =	sst s8  }
0x11: {  	[smem:$0x3FB6] =	sst s9;
	s0 =	simm.s32 @!p0 $0x0  }
0x12: {  	s1 =	sld [smem:$0x3F9C];
	s0 =	simm.s32 @p0 $0x1  }
0x13: {  	[smem:$0x3FB7] =	sst s0;
	s0 =	simm.s32 @!p1 $0x0  }
0x14: {  	s2 =	sld [smem:$0x3F9B];
	s0 =	simm.s32 @p1 $0x1  }
0x15: {  	[smem:$0x3FB8] =	sst s0;
	s0 =	simm.s32 @!p2 $0x0  }
0x16: {  	s3 =	sld [smem:$0x3FDB];
	s0 =	simm.s32 @p2 $0x1  }
0x17: {  	s4 =	simm.s32 $0x1BF5;
	[smem:$0x3FBA] =	sst s0  }
0x18: {  	s0 =	sld [smem:$0x3F9D];
	_ =	swait.ge [sflag:s4], $0x0  }
0x19: {  	s7 =	sld [smem:$0x3F9E]  }
0x1a: {  	s8 =	sadd.s32 $0xFFFFE003, lr  }
0x1b: {  	s9 =	sadd.s32 $0xFFFFFEF7, lr;
	s5 =	simm.s32 $0xFFFFFFFF;
	p2 =	slt.u32 s8, $0xFFFFF086  }
0x1c: {  	p1 =	slt.u32 s9, $0xF7A;
	s5 =	simm.s32 @!p2 $0x0  }
0x1d: {  	s5 =	simm.s32 @p1 $0x1;
	p0 =	seq.s32 s7, s2  }
0x1e: {  	s7 =	smul.u32 @!p0 $0xF7A, s2;
	p2 =	seq.s32 @!p0 s5, $0x0  }
0x1f: {  	s9 =	smul.u32 $0xF7A, s1;
	s8 =	simm.s32 @!p0 $0x1BF5;
	p2 =	por !p2, p0  }
0x20: {  	[sflag:s8] =	ssyncset.s32 @!p0 $0xFFFFF086;
	s6 =	sadd.s32 @!p0 s3, s7;
	s7 =	simm.s32 @!p0 $0x108  }
0x21: {  	s3 =	sadd.s32 s3, s9;
	s6 =	sadd.s32 @!p0 $0x88, s6;
	s7 =	simm.s32 @p2 $0x1082  }
0x22: {  	[simem:s7], [sflag:s8] =	dma.local @!p0 [hbm:s6], $0xF7A  }
0x23: {  	s9 =	sor.u32 $0xD0000000, s2;
	s6 =	simm.s32 $0x108;
	_ =	swait.ge @!p0 [sflag:s8], $0x0  }
0x24: {  	s3 =	sadd.s32 $0x88, s3;
	s6 =	simm.s32 @!p1 $0x1082;
	[sflag:s4] =	ssyncset.s32 $0xFFFFF086  }
0x25: {  	[simem:s6], [sflag:s4] =	dma.local [hbm:s3], $0xF7A  }
0x26: {  	[smem:$0x3F9E] =	sst s1;
	(tag) =	ssettag s2;
	_ =	strace s9  }
0x27: {  	s1 =	sld [smem:$0x3FAE]  }
0x28: {  	s2 =	sld [smem:$0x3FAF]  }
0x29: {  	s4 =	sld [smem:$0x3FB1]  }
0x2a: {  	p0 =	seq.s32 s5, $0x0;
	s5 =	sld [smem:$0x3FB2]  }
0x2b: {  	s6 =	sld [smem:$0x3FB3]  }
0x2c: {  	s7 =	sld [smem:$0x3FB4]  }
0x2d: {  	s3 =	simm.s32 $0x108;
	s8 =	sld [smem:$0x3FB5]  }
0x2e: {  	s3 =	simm.s32 @!p0 $0x1082;
	s9 =	sld [smem:$0x3FB6]  }
0x2f: {  	lr =	sadd.s32 s0, s3;
	s0 =	sld [smem:$0x3FAD]  }
0x30: {  	s3 =	sld [smem:$0x3FB0]  }
0x31: {  	[smem:$0x3FB9] =	sst s10  }
0x32: {  	s10 =	sld [smem:$0x3FB7];
	_ =	sdelay $0x3  }
0x33: {  	p0 =	seq.s32 s10, $0x1;
	s10 =	sld [smem:$0x3FB9];
	_ =	sdelay $0x3  }
0x34: {  	[smem:$0x3FB9] =	sst s10  }
0x35: {  	s10 =	sld [smem:$0x3FB8];
	_ =	sdelay $0x3  }
0x36: {  	p1 =	seq.s32 s10, $0x1;
	s10 =	sld [smem:$0x3FB9];
	_ =	sdelay $0x3  }
0x37: {  	[smem:$0x3FB9] =	sst s10  }
0x38: {  	s10 =	sld [smem:$0x3FBA]  }
0x39: {  	_ = 	snop;
	(pc) =	sbr.ind lr, $3  }
0x3a: {  	_ = 	snop  }
0x3b: {  	_ = 	snop  }
0x3c: {  	p2 =	seq.s32 s10, $0x1;
	s10 =	sld [smem:$0x3FB9]  }
0x3d: {  	_ =	shalt  }
0x3e: {  	_ =	shalt  }
0x3f: {  	_ =	shalt  }
0x40: {  	_ =	shalt  }
0x41: {  	_ =	shalt  }
0x42: {  	_ =	shalt  }
0x43: {  	_ =	shalt  }
0x44: {  	_ =	shalt  }
0x45: {  	_ =	shalt  }
0x46: {  	_ =	shalt  }
0x47: {  	_ =	shalt  }
0x48: {  	_ =	shalt  }
0x49: {  	_ =	shalt  }
0x4a: {  	_ =	shalt  }
0x4b: {  	_ =	shalt  }
0x4c: {  	_ =	shalt  }
0x4d: {  	_ =	shalt  }
0x4e: {  	_ =	shalt  }
0x4f: {  	_ =	shalt  }
0x50: {  	_ =	shalt  }
0x51: {  	_ =	shalt  }
0x52: {  	_ =	shalt  }
0x53: {  	_ =	shalt  }
0x54: {  	_ =	shalt  }
0x55: {  	_ =	shalt  }
0x56: {  	_ =	shalt  }
0x57: {  	_ =	shalt  }
0x58: {  	_ =	shalt  }
0x59: {  	_ =	shalt  }
0x5a: {  	_ =	shalt  }
0x5b: {  	_ =	shalt  }
0x5c: {  	_ =	shalt  }
0x5d: {  	_ =	shalt  }
0x5e: {  	_ =	shalt  }
0x5f: {  	_ =	shalt  }
0x60: {  	_ =	shalt  }
0x61: {  	_ =	shalt  }
0x62: {  	_ =	shalt  }
0x63: {  	_ =	shalt  }
0x64: {  	_ =	shalt  }
0x65: {  	_ =	shalt  }
0x66: {  	_ =	shalt  }
0x67: {  	_ =	shalt  }
0x68: {  	_ =	shalt  }
0x69: {  	_ =	shalt  }
0x6a: {  	_ =	shalt  }
0x6b: {  	_ =	shalt  }
0x6c: {  	_ =	shalt  }
0x6d: {  	_ =	shalt  }
0x6e: {  	_ =	shalt  }
0x6f: {  	_ =	shalt  }
0x70: {  	_ =	shalt  }
0x71: {  	_ =	shalt  }
0x72: {  	_ =	shalt  }
0x73: {  	_ =	shalt  }
0x74: {  	_ =	shalt  }
0x75: {  	_ =	shalt  }
0x76: {  	_ =	shalt  }
0x77: {  	_ =	shalt  }
0x78: {  	_ =	shalt  }
0x79: {  	_ =	shalt  }
0x7a: {  	_ =	shalt  }
0x7b: {  	_ =	shalt  }
0x7c: {  	_ =	shalt  }
0x7d: {  	_ =	shalt  }
0x7e: {  	_ =	shalt  }
0x7f: {  	_ =	shalt  }
0x80: {  	_ =	shalt  }
0x81: {  	_ =	shalt  }
0x82: {  	_ =	shalt  }
0x83: {  	_ =	shalt  }
0x84: {  	_ =	shalt  }
0x85: {  	_ =	shalt  }
0x86: {  	_ =	shalt  }
0x87: {  	_ =	shalt  }
.Lfunc_end0:
.L_simem_size_0:
called_computation_lowered:
.L_overlay_start_0:
0x88: {  	s2 =	sld [smem:$0x3FD9]  }
0x89: {  	s3 =	sld [smem:$0x3FFE];
	_ =	sdelay $0x1  }
0x8a: {  	s1 =	srdreg.scid  }
0x8b: {  	s0 =	sand.u32 $0x1, s1  }
0x8c: {  	s17 =	sshll.u32 s0, $0xA;
	s2 =	sadd.s32 s3, s2  }
0x8d: {  	s2 =	sadd.s32 s2, s17  }
0x8e: {  	[smem:$0x3FC5] =	sst s2  }
0x8f: {  	_ = 	snop  }
0x90: {  	s2 =	sld [smem:$0x3FD0];
	(tm) =	ssettm $0x1  }
0x91: {  	s18 =	sld [smem:$0x3FFB];
	_ =	sdelay $0x3  }
0x92: {  	_ =	strace s18  }
0x93: {  	s3 =	sld [smem:$0x3FFC];
	_ =	sdelay $0x3  }
0x94: {  	_ =	strace s3  }
0x95: {  	s3 =	sld [smem:$0x3FFD];
	_ =	sdelay $0x3  }
0x96: {  	_ =	strace s3  }
0x97: {  	_ =	strace $0x8FFFFFFF  }
0x98: {  	s19 =	sld [smem:$0x3FDB];
	_ =	sdelay $0x1  }
0x99: {  	s4 =	simm.s32 $_scs_section_size  }
0x9a: {  	s5 =	simm.s32 $_size__tile_overlayer_lowered;
	s6 =	simm.s32 $_tile_overlayer_lowered  }
0x9b: {  	s22 =	simm.s32 $0x1BFF;
	s21 =	sshll.u32 s6, $0x1;
	s3 =	sadd.s32 s4, s19  }
0x9c: {  	s7 =	simm.s32 $0x0;
	s20 =	sshll.u32 s5, $0x1;
	s5 =	sadd.s32 s21, s3  }
0x9d: {  	[timem:s7], [sflag:s22] =	dma.local [hbm:s5], s20  }
0x9e: {  	_ =	swait.ge [sflag:s22], s20  }
0x9f: {  	s4 =	ssub.s32 $0x0, s20;
	[sflag:s22] =	ssyncset.done $0x0  }
0xa0: {  	[sflag:s22] =	ssyncadd.s32 s4;
	_ =	sdelay $0x1  }
0xa1: {  	s23 =	simm.s32 $0x1B8B  }
0xa2: {  	_ =	swait.ge [sflag:s23], $0x1  }
0xa3: {  	[sflag:s23] =	ssyncset.done $0x0  }
0xa4: {  	s25 =	simm.s32 $0x1B8E;
	s24 =	sld [smem:$0x3FFE];
	[sflag:s23] =	ssyncadd.s32 $0xFFFFFFFF  }
0xa5: {  	s26 =	simm.s32 $execute0_lowered;
	[smem:$0x3FD2] =	sst s25  }
0xa6: {  	s5 =	sshll.u32 s26, $0x1;
	_ =	strace $0x80000046;
	[dreg:$0x1] =	wrdreg $0xFFFFFFFF  }
0xa7: {  	s28 =	simm.s32 $_size_execute0_lowered;
	s3 =	sadd.s32 s3, s5;
	[dreg:$0x0] =	wrdreg $0x0  }
0xa8: {  	s5 =	sshll.u32 s28, $0x1;
	[dreg:$0x2] =	wrdreg s3  }
0xa9: {  	[dreg:$0x3] =	wrdreg s5  }
0xaa: {  	[dreg:$0x4] =	wrdreg $0xC0  }
0xab: {  	_ =	task [dreg:s7], $0x5FFFF  }
0xac: {  	[dreg:$0x1] =	wrdreg $0xFFFFFFFF  }
0xad: {  	[dreg:$0x0] =	wrdreg $0x60  }
0xae: {  	[dreg:$0x2] =	wrdreg s24  }
0xaf: {  	[dreg:$0x3] =	wrdreg s2  }
0xb0: {  	[dreg:$0x4] =	wrdreg $0x9  }
0xb1: {  	_ =	task.clear_ibuf [dreg:s7], $0x5FFFF;
	_ =	strace $0x90000046  }
0xb2: {  	s29 =	simm.s32 $0x9;
	_ =	strace $0x80000048  }
0xb3: {  	_ =	swait.ge [sflag:s29], $0x1  }
0xb4: {  	[sflag:s29] =	ssyncadd.s32 $0xFFFFFFFF  }
0xb5: {  	_ =	strace $0x90000048  }
0xb6: {  	_ =	sfence  }
0xb7: {  	s30 =	sld [smem:$0x0];
	_ =	sdelay $0x2  }
0xb8: {  	s31 =	sshll.u32 s1, $0xD;
	s1 =	sshrl.u32 s1, $0x2  }
0xb9: {  	s3 =	sand.u32 $0x4000, s31;
	s1 =	sadd.s32 s1, s30  }
0xba: {  	s0 =	sor.u32 s3, s0;
	s1 =	sshll.u32 s1, $0x11  }
0xbb: {  	s0 =	sor.u32 s1, s0  }
0xbc: {  	s0 =	sadd.s32 $0x8F2B, s0  }
0xbd: {  	[sflag:s0] =	ssyncadd.remote.s32 $0x1  }
0xbe: {  	_ =	sfence.sel $0xFFFF  }
0xbf: {  	[dreg:$0x0] =	wrdreg $0xFFFFFFFF;
	(pc) =	sbr.abs _section_cstart, $3  }
0xc0: {  	[dreg:$0x1] =	wrdreg $0xFFFFFFFF  }
0xc1: {  	_ =	task.clear_ibuf [dreg:s7], $0x2FFFF;
	_ =	strace $0x9FFFFFFF  }
0xc2: {  	(tm) =	ssettm $0x7FFFFFFF  }
0xc3: {  	_ =	shalt  }
tec
execute0_lowered:
.L_overlay_start_1:
0x0: {  	(tag) =	ssettag $0x1  }
0x1: {  	s0 =	rddreg [dreg:$0x0];
	s15 =	simm.s32 $0x0  }
0x2: {  	s1 =	srdreg.scid;
	s6 =	stileid.u32;
	s12 =	simm.s32 $0x2  }
0x3: {  	s22 =	simm.s32 $0x4880;
	s23 =	simm.s32 $0x5080;
	s24 =	simm.s32 $0x5880  }
0x4: {  	s25 =	simm.s32 $0x6080;
	s28 =	simm.s32 $0x7080;
	s29 =	simm.s32 $0x7880  }
0x5: {  	s30 =	simm.s32 $0x8080;
	s31 =	simm.s32 $0x8880;
	s11 =	simm.s32 $0x1  }
0x6: {  	s13 =	simm.s32 $0x400;
	s14 =	simm.s32 $0xB080;
	[smem:$0x7FF] =	sst s15  }
0x7: {  	s4 =	sadd.s32 $0x800, s0;
	s1 =	sand.u32 $0x1, s1;
	s5 =	sadd.s32 $0x80800, s0  }
0x8: {  	s7 =	sshll.u32 s6, $0x8;
	s6 =	sadd.s32 $0x100800, s0;
	s8 =	sadd.s32 $0x900, s0  }
0x9: {  	s9 =	sadd.s32 $0xA00, s0;
	s10 =	sadd.s32 $0xB00, s0;
	s2 =	ssub.s32 $0x2, s1  }
0xa: {  	s0 =	simm.s32 $0x9080;
	s1 =	sshll.u32 s1, $0x7;
	s3 =	sshrl.u32 s2, $0x1  }
0xb: {  	v2 =	vlaneseq.u32;
	_ =	strace $0x80000047;
	s7 =	sor.u32 s1, s7;
	s2 =	ssub.s32 s2, s3  }
0xc: {  	vm0 =	vmmov $0xffff;
	v1 =	vshrl.u32 v2, $0x3;
	s1 =	simm.s32 $0x200;
	s3 =	simm.s32 $0x9880;
	s26 =	smax.u32 s2, $0x1  }
0xd: {  	v0 =	vand.u32 $0x7, v2;
	v2 =	vor.u32 $0x8, v2;
	v1 =	vmul.u32 $0x8, v1;
	s2 =	simm.s32 $0xA080;
	[dreg:$0x4] =	wrdreg s26;
	s26 =	simm.s32 $0x6880  }
.LBB2_1:
0xe: {  	[dreg:$0x3] =	wrdreg s15;
	s15 =	simm.s32 $0x0  }
.LBB2_2:
0xf: {  	s16 =	sshll.u32 s15, $0x2  }
0x10: {  	s17 =	sadd.s32 s7, s16  }
0x11: {  	s16 =	smul.u32 $0xA, s17;
	_ =	sdelay $0x1  }
0x12: {  	s18 =	rddreg [dreg:$0x1];
	s16 =	sshrl.u32 s16, $0x3  }
0x13: {  	s18 =	sadd.s32 s18, s16;
	s16 =	simm.s32 $0x0  }
0x14: {  	[tilespmem:s16], [sflag:$0x2] =	stream.linear.gather [hbm4b:s18+s16], $0x28, $0x38;
	[tilespmem:$0xC080] =	vst v63  }
0x15: {  	_ =	swait.ge [sflag:s12], $0x28  }
0x16: {  	[sflag:s12] =	ssyncset.done $0x0  }
0x17: {  	[sflag:s12] =	ssyncadd.s32 $0xFFFFFFD8  }
0x18: {  	v3 =	vld [tilespmem:$0x0];
	_ =	sdelay $0x4  }
0x19: {  	v4 =	vshll.u32 v3, $0x3  }
0x1a: {  	v3 =	vand.u32 $0x7, v3;
	v4 =	vand.u32 $0xFFFFFFC0, v4  }
0x1b: {  	v3 =	vor.u32 v3, v4  }
0x1c: {  	v4 =	vperm.xlane v3, v0;
	_ =	sdelay $0x1  }
0x1d: {  	v4 =	vadd.s32 v1, v4;
	_ =	sdelay $0x3  }
0x1e: {  	s21 =	simm.s32 $0x80  }
0x1f: {  	[tilespmem:s21], [sflag:$0x1] =	stream.indirect_vreg.gather [hbm4b:s4+s16], $0x80, v4, vm0, $0xb8;
	[tilespmem:$0xC080] =	vst v63  }
0x20: {  	s19 =	simm.s32 $0x880;
	v3 =	vperm.xlane v3, v2  }
0x21: {  	[tilespmem:s19], [sflag:$0x1] =	stream.indirect_vreg.gather [hbm4b:s8+s16], $0x80, v4, vm0, $0xb8;
	[tilespmem:$0xC080] =	vst v63  }
0x22: {  	s20 =	simm.s32 $0x1080;
	v3 =	vadd.s32 v1, v3  }
0x23: {  	[tilespmem:s20], [sflag:$0x1] =	stream.indirect_vreg.gather [hbm4b:s9+s16], $0x80, v4, vm0, $0xb8;
	[tilespmem:$0xC080] =	vst v63  }
0x24: {  	s21 =	simm.s32 $0x1880  }
0x25: {  	[tilespmem:s21], [sflag:$0x1] =	stream.indirect_vreg.gather [hbm4b:s10+s16], $0x80, v4, vm0, $0xb8;
	[tilespmem:$0xC080] =	vst v63  }
0x26: {  	s19 =	simm.s32 $0x2080  }
0x27: {  	[tilespmem:s19], [sflag:$0x1] =	stream.indirect_vreg.gather [hbm4b:s4+s16], $0x80, v3, vm0, $0xb8;
	[tilespmem:$0xC080] =	vst v63  }
0x28: {  	s20 =	simm.s32 $0x2880  }
0x29: {  	[tilespmem:s20], [sflag:$0x1] =	stream.indirect_vreg.gather [hbm4b:s8+s16], $0x80, v3, vm0, $0xb8;
	[tilespmem:$0xC080] =	vst v63  }
0x2a: {  	s21 =	simm.s32 $0x3080  }
0x2b: {  	[tilespmem:s21], [sflag:$0x1] =	stream.indirect_vreg.gather [hbm4b:s9+s16], $0x80, v3, vm0, $0xb8;
	[tilespmem:$0xC080] =	vst v63  }
0x2c: {  	s19 =	simm.s32 $0x3880  }
0x2d: {  	[tilespmem:s19], [sflag:$0x1] =	stream.indirect_vreg.gather [hbm4b:s10+s16], $0x80, v3, vm0, $0xb8;
	[tilespmem:$0xC080] =	vst v63  }
0x2e: {  	v3 =	vld [tilespmem:$0x10];
	_ =	sdelay $0x4  }
0x2f: {  	v62 =	vshll.u32 v3, $0x3  }
0x30: {  	v3 =	vand.u32 $0x7, v3;
	v4 =	vand.u32 $0xFFFFFFC0, v62  }
0x31: {  	v3 =	vor.u32 v3, v4  }
0x32: {  	v4 =	vperm.xlane v3, v0;
	_ =	sdelay $0x1  }
0x33: {  	v4 =	vadd.s32 v1, v4;
	_ =	sdelay $0x3  }
0x34: {  	s20 =	simm.s32 $0x4080  }
0x35: {  	[tilespmem:s20], [sflag:$0x1] =	stream.indirect_vreg.gather [hbm4b:s4+s16], $0x80, v4, vm0, $0xb8;
	[tilespmem:$0xC080] =	vst v63  }
0x36: {  	v3 =	vperm.xlane v3, v2  }
0x37: {  	[tilespmem:s22], [sflag:$0x1] =	stream.indirect_vreg.gather [hbm4b:s8+s16], $0x80, v4, vm0, $0xb8;
	[tilespmem:$0xC080] =	vst v63  }
0x38: {  	v3 =	vadd.s32 v1, v3  }
0x39: {  	[tilespmem:s23], [sflag:$0x1] =	stream.indirect_vreg.gather [hbm4b:s9+s16], $0x80, v4, vm0, $0xb8;
	[tilespmem:$0xC080] =	vst v63  }
0x3a: {  	_ = 	snop  }
0x3b: {  	[tilespmem:s24], [sflag:$0x1] =	stream.indirect_vreg.gather [hbm4b:s10+s16], $0x80, v4, vm0, $0xb8;
	[tilespmem:$0xC080] =	vst v63  }
0x3c: {  	_ = 	snop  }
0x3d: {  	[tilespmem:s25], [sflag:$0x1] =	stream.indirect_vreg.gather [hbm4b:s4+s16], $0x80, v3, vm0, $0xb8;
	[tilespmem:$0xC080] =	vst v63  }
0x3e: {  	_ = 	snop  }
0x3f: {  	[tilespmem:s26], [sflag:$0x1] =	stream.indirect_vreg.gather [hbm4b:s8+s16], $0x80, v3, vm0, $0xb8;
	[tilespmem:$0xC080] =	vst v63  }
0x40: {  	_ = 	snop  }
0x41: {  	[tilespmem:s28], [sflag:$0x1] =	stream.indirect_vreg.gather [hbm4b:s9+s16], $0x80, v3, vm0, $0xb8;
	[tilespmem:$0xC080] =	vst v63  }
0x42: {  	_ = 	snop  }
0x43: {  	[tilespmem:s29], [sflag:$0x1] =	stream.indirect_vreg.gather [hbm4b:s10+s16], $0x80, v3, vm0, $0xb8;
	[tilespmem:$0xC080] =	vst v63  }
0x44: {  	v3 =	vld.msk [tilespmem:$0x20], $0xff;
	_ =	sdelay $0x4  }
0x45: {  	v63 =	vshll.u32 v3, $0x3  }
0x46: {  	v3 =	vand.u32 $0x7, v3;
	v4 =	vand.u32 $0xFFFFFFC0, v63  }
0x47: {  	v3 =	vor.u32 v3, v4  }
0x48: {  	v3 =	vperm.xlane v3, v0;
	_ =	sdelay $0x1  }
0x49: {  	v3 =	vadd.s32 v1, v3;
	_ =	sdelay $0x4  }
0x4a: {  	[tilespmem:s30], [sflag:$0x1] =	stream.indirect_vreg.gather [hbm4b:s4+s16], $0x80, v3, vm0, $0xb8;
	[tilespmem:$0xC080] =	vst v63  }
0x4b: {  	_ = 	snop  }
0x4c: {  	[tilespmem:s31], [sflag:$0x1] =	stream.indirect_vreg.gather [hbm4b:s8+s16], $0x80, v3, vm0, $0xb8;
	[tilespmem:$0xC080] =	vst v63  }
0x4d: {  	_ = 	snop  }
0x4e: {  	[tilespmem:s0], [sflag:$0x1] =	stream.indirect_vreg.gather [hbm4b:s9+s16], $0x80, v3, vm0, $0xb8;
	[tilespmem:$0xC080] =	vst v63  }
0x4f: {  	_ = 	snop  }
0x50: {  	[tilespmem:s3], [sflag:$0x1] =	stream.indirect_vreg.gather [hbm4b:s10+s16], $0x80, v3, vm0, $0xb8;
	[tilespmem:$0xC080] =	vst v63  }
0x51: {  	_ =	swait.ge [sflag:s11], $0xA000  }
0x52: {  	s17 =	sshll.u32 s17, $0x7;
	[sflag:s11] =	ssyncset.done $0x0  }
0x53: {  	s21 =	sadd.s32 s5, s17;
	[sflag:s11] =	ssyncadd.s32 $0xFFFF6000  }
0x54: {  	[tilespmem:s2], [sflag:$0x2] =	stream.linear.gather [hbm4b:s21+s16], $0x1000, $0x38;
	[tilespmem:$0xC080] =	vst v63  }
0x55: {  	_ =	swait.ge [sflag:s12], $0x1000  }
0x56: {  	[sflag:s12] =	ssyncset.done $0x0  }
0x57: {  	s18 =	simm.s32 $0x0;
	[sflag:s12] =	ssyncadd.s32 $0xFFFFF000  }
.LBB2_3:
0x58: {  	s19 =	sshll.u32 s18, $0x7  }
0x59: {  	s20 =	sand.u32 $0x70, s16;
	s19 =	sand.u32 $0x3FFFFC00, s19  }
0x5a: {  	s19 =	sor.u32 s20, s19  }
0x5b: {  	v3 =	vld [tilespmem:s19+$0x80]  }
0x5c: {  	v4 =	vld [tilespmem:s19+$0x100]  }
0x5d: {  	v5 =	vld [tilespmem:s19+$0x180]  }
0x5e: {  	v6 =	vld [tilespmem:s19+$0x200]  }
0x5f: {  	v7 =	vld [tilespmem:s19+$0x280]  }
0x60: {  	v8 =	vld [tilespmem:s19+$0x300]  }
0x61: {  	v9 =	vld [tilespmem:s19+$0x380];
	v4 =	vshll.u32 v4, $0x1  }
0x62: {  	v57 =	vshll.u32 v5, $0x2;
	v3 =	vor.u32 v3, v4  }
0x63: {  	v59 =	vld [tilespmem:s19+$0x400];
	v58 =	vshll.u32 v6, $0x3;
	v3 =	vor.u32 v57, v3  }
0x64: {  	v61 =	vld [tilespmem:s19+$0x2080];
	v60 =	vshll.u32 v7, $0x4;
	v3 =	vor.u32 v58, v3  }
0x65: {  	v62 =	vshll.u32 v8, $0x5;
	v3 =	vor.u32 v60, v3  }
0x66: {  	v63 =	vshll.u32 v9, $0x6;
	v9 =	vld [tilespmem:s19+$0x2100];
	v3 =	vor.u32 v62, v3  }
0x67: {  	v3 =	vor.u32 v63, v3  }
0x68: {  	v10 =	vshll.u32 v59, $0x7;
	v11 =	vand.u32 $0xFFFFFF80, v3  }
0x69: {  	v6 =	vshll.u32 v61, $0x8;
	v4 =	vor.u32 v10, v11  }
0x6a: {  	v3 =	vand.u32 $0x7F, v3;
	v4 =	vor.u32 v6, v4  }
0x6b: {  	v12 =	vshll.u32 v9, $0x9;
	v3 =	vor.u32 v3, v4  }
0x6c: {  	v3 =	vor.u32 v12, v3;
	_ =	sdelay $0x4  }
0x6d: {  	v3 =	vld.idx.msk [tilespmem:v3+s2+$0x0], $0xffff;
	_ =	sdelay $0x2  }
0x6e: {  	s21 =	sshll.u32 s18, $0x6  }
0x6f: {  	s21 =	sand.u32 $0x3FFFFE00, s21  }
0x70: {  	s20 =	sor.u32 s20, s21;
	v3 =	vand.u32 $0x1, v3  }
0x71: {  	[tilespmem:s20+$0xB080] =	vst v3  }
0x72: {  	v3 =	vld [tilespmem:s19+$0x2180]  }
0x73: {  	v13 =	vld [tilespmem:s19+$0x2200]  }
0x74: {  	v14 =	vld [tilespmem:s19+$0x2280]  }
0x75: {  	v15 =	vld [tilespmem:s19+$0x2300]  }
0x76: {  	v16 =	vld [tilespmem:s19+$0x2380]  }
0x77: {  	v17 =	vld [tilespmem:s19+$0x2400]  }
0x78: {  	v18 =	vld [tilespmem:s19+$0x4080];
	v4 =	vshll.u32 v13, $0x1  }
0x79: {  	v19 =	vshll.u32 v14, $0x2;
	v3 =	vor.u32 v3, v4  }
0x7a: {  	v21 =	vld [tilespmem:s19+$0x4100];
	v20 =	vshll.u32 v15, $0x3;
	v3 =	vor.u32 v19, v3  }
0x7b: {  	v23 =	vld [tilespmem:s19+$0x4180];
	v22 =	vshll.u32 v16, $0x4;
	v3 =	vor.u32 v20, v3  }
0x7c: {  	v25 =	vld [tilespmem:s19+$0x4200];
	v24 =	vshll.u32 v17, $0x5;
	v3 =	vor.u32 v22, v3  }
0x7d: {  	v26 =	vshll.u32 v18, $0x6;
	v3 =	vor.u32 v24, v3  }
0x7e: {  	v3 =	vor.u32 v26, v3  }
0x7f: {  	v27 =	vshll.u32 v21, $0x7;
	v28 =	vand.u32 $0xFFFFFF80, v3  }
0x80: {  	v6 =	vshll.u32 v23, $0x8;
	v4 =	vor.u32 v27, v28  }
0x81: {  	v29 =	vshll.u32 v25, $0x9;
	v4 =	vor.u32 v6, v4  }
0x82: {  	v3 =	vand.u32 $0x7F, v3;
	v4 =	vor.u32 v29, v4  }
0x83: {  	v3 =	vor.u32 v3, v4  }
0x84: {  	v3 =	vadd.s32 $0x400, v3;
	_ =	sdelay $0x4  }
0x85: {  	v3 =	vld.idx.msk [tilespmem:v3+s2+$0x0], $0xffff;
	_ =	sdelay $0x4  }
0x86: {  	v3 =	vand.u32 $0x1, v3  }
0x87: {  	[tilespmem:s20+$0xB100] =	vst v3  }
0x88: {  	v3 =	vld [tilespmem:s19+$0x4280]  }
0x89: {  	v30 =	vld [tilespmem:s19+$0x4300]  }
0x8a: {  	v31 =	vld [tilespmem:s19+$0x4380]  }
0x8b: {  	v32 =	vld [tilespmem:s19+$0x4400]  }
0x8c: {  	v33 =	vld [tilespmem:s19+$0x6080]  }
0x8d: {  	v34 =	vld [tilespmem:s19+$0x6100]  }
0x8e: {  	v35 =	vld [tilespmem:s19+$0x6180];
	v4 =	vshll.u32 v30, $0x1  }
0x8f: {  	v36 =	vshll.u32 v31, $0x2;
	v3 =	vor.u32 v3, v4  }
0x90: {  	v38 =	vld [tilespmem:s19+$0x6200];
	v37 =	vshll.u32 v32, $0x3;
	v3 =	vor.u32 v36, v3  }
0x91: {  	v40 =	vld [tilespmem:s19+$0x6280];
	v39 =	vshll.u32 v33, $0x4;
	v3 =	vor.u32 v37, v3  }
0x92: {  	v42 =	vld [tilespmem:s19+$0x6300];
	v41 =	vshll.u32 v34, $0x5;
	v3 =	vor.u32 v39, v3  }
0x93: {  	v43 =	vshll.u32 v35, $0x6;
	v3 =	vor.u32 v41, v3  }
0x94: {  	v3 =	vor.u32 v43, v3  }
0x95: {  	v44 =	vshll.u32 v38, $0x7;
	v45 =	vand.u32 $0xFFFFFF80, v3  }
0x96: {  	v6 =	vshll.u32 v40, $0x8;
	v4 =	vor.u32 v44, v45  }
0x97: {  	v46 =	vshll.u32 v42, $0x9;
	v4 =	vor.u32 v6, v4  }
0x98: {  	v3 =	vand.u32 $0x7F, v3;
	v4 =	vor.u32 v46, v4  }
0x99: {  	v3 =	vor.u32 v3, v4  }
0x9a: {  	v3 =	vadd.s32 $0x800, v3;
	_ =	sdelay $0x4  }
0x9b: {  	v3 =	vld.idx.msk [tilespmem:v3+s2+$0x0], $0xffff;
	_ =	sdelay $0x4  }
0x9c: {  	v3 =	vand.u32 $0x1, v3  }
0x9d: {  	[tilespmem:s20+$0xB180] =	vst v3  }
0x9e: {  	v3 =	vld [tilespmem:s19+$0x6380]  }
0x9f: {  	v47 =	vld [tilespmem:s19+$0x6400]  }
0xa0: {  	v48 =	vld [tilespmem:s19+$0x8080]  }
0xa1: {  	v49 =	vld [tilespmem:s19+$0x8100]  }
0xa2: {  	v50 =	vld [tilespmem:s19+$0x8180]  }
0xa3: {  	v51 =	vld [tilespmem:s19+$0x8200]  }
0xa4: {  	v52 =	vld [tilespmem:s19+$0x8280];
	v4 =	vshll.u32 v47, $0x1  }
0xa5: {  	v53 =	vshll.u32 v48, $0x2;
	v3 =	vor.u32 v3, v4  }
0xa6: {  	v55 =	vld [tilespmem:s19+$0x8300];
	v54 =	vshll.u32 v49, $0x3;
	v3 =	vor.u32 v53, v3  }
0xa7: {  	v57 =	vld [tilespmem:s19+$0x8380];
	v56 =	vshll.u32 v50, $0x4;
	v3 =	vor.u32 v54, v3  }
0xa8: {  	v59 =	vld [tilespmem:s19+$0x8400];
	v58 =	vshll.u32 v51, $0x5;
	v3 =	vor.u32 v56, v3  }
0xa9: {  	v60 =	vshll.u32 v52, $0x6;
	v3 =	vor.u32 v58, v3  }
0xaa: {  	v3 =	vor.u32 v60, v3  }
0xab: {  	v61 =	vshll.u32 v55, $0x7;
	v62 =	vand.u32 $0xFFFFFF80, v3  }
0xac: {  	v6 =	vshll.u32 v57, $0x8;
	v4 =	vor.u32 v61, v62  }
0xad: {  	v63 =	vshll.u32 v59, $0x9;
	v4 =	vor.u32 v6, v4  }
0xae: {  	v3 =	vand.u32 $0x7F, v3;
	v4 =	vor.u32 v63, v4  }
0xaf: {  	v3 =	vor.u32 v3, v4  }
0xb0: {  	v3 =	vadd.s32 $0xC00, v3;
	_ =	sdelay $0x4  }
0xb1: {  	v3 =	vld.idx.msk [tilespmem:v3+s2+$0x0], $0xffff  }
0xb2: {  	p0 =	sne.s32 s18, $0x3F  }
.Ltmp0:
0xb3: {  	_ = 	snop;
	(pc) =	sbr.rel @p0 .LBB2_3-.Ltmp0, $3  }
0xb4: {  	_ =	sdelay $0x1  }
0xb5: {  	v3 =	vand.u32 $0x1, v3  }
0xb6: {  	s16 =	sadd.s32 $0x10, s16;
	s18 =	sadd.s32 $0x1, s18;
	[tilespmem:s20+$0xB200] =	vst v3  }
0xb7: {  	s16 =	sshll.u32 s15, $0x6  }
0xb8: {  	s15 =	sadd.s32 $0x1, s15;
	s16 =	sand.u32 $0x40, s16  }
0xb9: {  	s17 =	sand.u32 $0x7FC00, s17;
	p0 =	sne.s32 s15, $0x20;
	s16 =	sadd.s32 s6, s16  }
.Ltmp1:
0xba: {  	s16 =	sadd.s32 s17, s16;
	(pc) =	sbr.rel @p0 .LBB2_2-.Ltmp1, $4  }
0xbb: {  	[hbm4b:s16+s1] =	stream.strided.scatter [tilespmem:s14], [sflag:$0x2], $0x1000, s13, s1, $0x38;
	[tilespmem:$0xC080] =	vst v63  }
0xbc: {  	_ =	swait.ge [sflag:s12], $0x1000  }
0xbd: {  	[sflag:s12] =	ssyncset.done $0x0  }
0xbe: {  	[sflag:s12] =	ssyncadd.s32 $0xFFFFF000  }
0xbf: {  	s15 =	rddreg [dreg:$0x3]  }
0xc0: {  	s16 =	rddreg [dreg:$0x4];
	s15 =	sadd.s32 $0x1, s15  }
0xc1: {  	p0 =	sne.s32 s15, s16  }
.Ltmp2:
0xc2: {  	_ = 	snop;
	(pc) =	sbr.rel @p0 .LBB2_1-.Ltmp2, $1  }
0xc3: {  	_ =	sdelay $0x3  }
0xc4: {  	_ =	sfence.sel $0x180000  }
0xc5: {  	[bflag:$0x0] =	sbarrier.arrive $0xFFFF  }
0xc6: {  	_ =	strace $0x90000047  }
0xc7: {  	s0 =	stileid.u32;
	[bflag:$0x2] =	sbarrier.arrive $0xFFFF  }
0xc8: {  	p0 =	sne.s32 s0, $0x0;
	s0 =	rddreg [dreg:$0x2]  }
0xc9: {  	s0 =	sadd.s32 @!p0 $0x100000, s0  }
0xca: {  	[sflag:s0] =	ssyncadd.tile.s32 @!p0 $0x1;
	_ =	shalt  }
.Lfunc_end2:
_tile_overlayer_lowered:
.L_overlay_start_2:
0xcb: {  	(tag) =	ssettag $0x2  }
0xcc: {  	s0 =	rddreg [dreg:$0x0];
	s2 =	stileid.u32  }
0xcd: {  	s1 =	rddreg [dreg:$0x1];
	p0 =	sne.s32 s2, $0x0  }
0xce: {  	s3 =	rddreg [dreg:$0x2];
	[bflag:$0x3] =	sbarrier.arrive $0xFFFF;
	s2 =	simm.s32 @!p0 $0x1C02  }
0xcf: {  	[timem:s3], [sflag:s2] =	dma.local @!p0 [hbm:s0], s1  }
0xd0: {  	s0 =	simm.s32 @!p0 $0x2  }
0xd1: {  	_ =	swait.ge @!p0 [sflag:s0], s1  }
0xd2: {  	s1 =	ssub.s32 @!p0 $0x0, s1;
	[sflag:s0] =	ssyncset.done @!p0 $0x0  }
0xd3: {  	[sflag:s0] =	ssyncadd.s32 @!p0 s1  }
0xd4: {  	[bflag:$0x3] =	sbarrier.arrive $0xFFFF  }
0xd5: {  	_ =	shalt  }

</sc_bundles>
